<compile_context>
chip_gen: v7x
topology: tpu7x:2x2x1
jax: 0.10.2.dev20260603
libtpu: 0.0.44.dev20260713+nightly
codegen_flags: <defaults>
</compile_context>

<pallas_src>
import functools

import jax
import jax.numpy as jnp
from jax import lax
from jax.experimental import pallas as pl
from jax.experimental.pallas import tpu as pltpu
from jax.experimental.pallas import tpu_sc as plsc

_F32 = jnp.float32
_LN2 = 0.6931471805599453
_SQRT2 = 1.4142135623730951

_S_OFF = 0
_A_OFF = 12
_B_OFF = 44
_C_OFF = 76


def _vlog(x):
    bits = lax.bitcast_convert_type(x, jnp.int32)
    e = lax.shift_right_arithmetic(bits, 23) - 127
    m = lax.bitcast_convert_type(
        jnp.bitwise_or(jnp.bitwise_and(bits, 0x007FFFFF), 0x3F800000), _F32)
    adj = m > _SQRT2
    m = jnp.where(adj, m * 0.5, m)
    e = (e + jnp.where(adj, 1, 0)).astype(_F32)
    t = (m - 1.0) / (m + 1.0)
    t2 = t * t
    p = jnp.float32(1.0 / 9.0)
    p = p * t2 + 1.0 / 7.0
    p = p * t2 + 1.0 / 5.0
    p = p * t2 + 1.0 / 3.0
    p = p * t2 + 1.0
    return 2.0 * t * p + e * _LN2


def _body(yp_hbm, yt_hbm, probs_hbm, d_hbm, yp_v, yt_v, out_v, d_v,
          sem1, sem2):
    cp1 = pltpu.async_copy(yp_hbm, yp_v, sem1)
    cp2 = pltpu.async_copy(yt_hbm, yt_v, sem2)
    cp1.wait()
    cp2.wait()

    lane = lax.iota(jnp.int32, 16)
    a = lax.shift_right_logical(lane, 2)
    c = jnp.bitwise_and(lane, 3)
    a8 = a * 8
    c2 = c * 2

    s0a = plsc.load_gather(yp_v, [a + _S_OFF])
    s2c = plsc.load_gather(yp_v, [c + (_S_OFF + 8)])
    cw = [s2c * plsc.load_gather(yp_v, [a8 + c2 + (_C_OFF + o2)])
          for o2 in (0, 1)]

    m = [[None, None], [None, None]]
    for b in range(4):
        s1b = plsc.load_gather(yp_v, [lane * 0 + (_S_OFF + 4 + b)])
        f = s0a * s1b
        ag = [plsc.load_gather(yp_v, [a8 + (_A_OFF + 2 * b + o0)])
              for o0 in (0, 1)]
        bg = [plsc.load_gather(yp_v, [c2 + (_B_OFF + 8 * b + o1)])
              for o1 in (0, 1)]
        for o0 in (0, 1):
            t0 = f * ag[o0]
            for o1 in (0, 1):
                term = t0 * bg[o1]
                m[o0][o1] = term if b == 0 else m[o0][o1] + term

    probs = s0a * 0.0
    for o0 in (0, 1):
        for o1 in (0, 1):
            for o2 in (0, 1):
                val = jnp.sum(m[o0][o1] * cw[o2])
                probs = jnp.where(lane == (o0 * 4 + o1 * 2 + o2),
                                  val, probs)

    out_v[...] = probs
    cpo1 = pltpu.async_copy(out_v.at[pl.ds(0, 8)], probs_hbm, sem1)

    yt = jnp.where(lane < 8,
                   plsc.load_gather(yt_v, [jnp.bitwise_and(lane, 7)]),
                   0.0)
    pc = jnp.minimum(jnp.maximum(probs, 1e-10), 1.0)
    d = jnp.sum(yt * (_vlog(yt + 1e-10) - _vlog(pc)))

    d_v[...] = probs * 0.0 + d
    cpo2 = pltpu.async_copy(d_v.at[pl.ds(0, 1)], d_hbm, sem2)
    cpo1.wait()
    cpo2.wait()


_loss_call = functools.partial(
    pl.kernel,
    mesh=plsc.VectorSubcoreMesh(core_axis_name="c", subcore_axis_name="s",
                                num_cores=1, num_subcores=1),
    compiler_params=pltpu.CompilerParams(needs_layout_passes=False),
    out_type=[
        jax.ShapeDtypeStruct((8,), _F32),
        jax.ShapeDtypeStruct((1,), _F32),
    ],
    scratch_types=[
        pltpu.VMEM((108,), _F32),
        pltpu.VMEM((8,), _F32),
        pltpu.VMEM((16,), _F32),
        pltpu.VMEM((16,), _F32),
        pltpu.SemaphoreType.DMA,
        pltpu.SemaphoreType.DMA,
    ],
)(_body)


def kernel(y_pred, y_true):
    probs, d1 = _loss_call(jnp.ravel(y_pred), y_true)
    return (jnp.reshape(d1, ()), probs)

# --- scband reference (transcript-rebuilt; emitter-appended) ---
"""Pipeline reference for scband-custom-loss-38852274159738 (READ-ONLY COPY).

The authoritative reference and input builder live on the scoring server;
editing this copy changes nothing except your own understanding.
"""

import jax, jax.numpy as jnp
import numpy as np
from itertools import product

CARD = 4
SOURCE_INDICES = {'s0': 0, 's1': 1, 's2': 2}
CONFIG = {'A': (('s0', 's1'), 2), 'B': (('s1', 's2'), 2), 'C': (('s0', 's2'), 2)}
OUTPUT_SIZES = [2, 2, 2]
NUM_SOURCES = 3
Y_PRED_DIM = NUM_SOURCES * CARD + sum((CARD ** len(s)) * n for s, n in CONFIG.values())


def setup_inputs(seed: int = 0):
    key = jax.random.key(seed)
    k1, k2 = jax.random.split(key)
    y_pred = jax.random.uniform(k1, (1, Y_PRED_DIM), dtype=jnp.float32)
    y_true = jax.random.uniform(k2, (int(np.prod(OUTPUT_SIZES)),), dtype=jnp.float32)
    return {'y_pred': y_pred, 'y_true': y_true}


def _distribution(y_pred):
    output_sources = jnp.reshape(y_pred[:, :NUM_SOURCES * CARD], (NUM_SOURCES, CARD))
    output_party = y_pred[:, NUM_SOURCES * CARD:]
    start = 0
    all_party_out = []
    for party, (sources, n_out) in CONFIG.items():
        n_conn = len(sources)
        end = start + (CARD ** n_conn) * n_out
        t = jnp.reshape(output_party[:, start:end], tuple([CARD] * n_conn + [n_out]))
        all_party_out.append(t)
        start = end
    prob_out = jnp.zeros(tuple(OUTPUT_SIZES), dtype=y_pred.dtype)
    parties = list(CONFIG.keys())
    all_outputs = [range(s) for s in OUTPUT_SIZES]
    for received in product(range(CARD), repeat=NUM_SOURCES):
        w_src = jnp.asarray(1.0, dtype=y_pred.dtype)
        for i in range(NUM_SOURCES):
            w_src = w_src * output_sources[i, received[i]]
        for outputs in product(*all_outputs):
            w_party = jnp.asarray(1.0, dtype=y_pred.dtype)
            for idp, party in enumerate(parties):
                srcs = CONFIG[party][0]
                rs = tuple(received[SOURCE_INDICES[srcs[i]]] for i in range(len(srcs)))
                w_party = w_party * all_party_out[idp][rs][outputs[idp]]
            prob_out = prob_out.at[outputs].add(w_src * w_party)
    return jnp.ravel(prob_out)


def _kl(y_pred, y_true):
    y_pred_c = jnp.clip(y_pred, 1e-10, 1.0)
    log_y_pred = jnp.log(y_pred_c)
    return jnp.sum(y_true * (jnp.log(y_true + 1e-10) - log_y_pred))


def reference(y_pred, y_true):
    probs = _distribution(y_pred)
    d = _kl(probs, y_true)
    return (d, probs)

if __name__ == "__main__":
    import jax
    _d = setup_inputs()
    print(jax.jit(kernel)(*tuple(_d.values())))

</pallas_src>

<mosaic_0001>
#map = affine_map<(d0, d1) -> (0)>
module attributes {stable_mosaic.version = 14 : i64} {
  func.func @_body(%arg0: i32, %arg1: i32, %arg2: memref<108xf32, #tpu.memory_space<hbm>>, %arg3: memref<8xf32, #tpu.memory_space<hbm>>, %arg4: memref<8xf32, #tpu.memory_space<hbm>>, %arg5: memref<1xf32, #tpu.memory_space<hbm>>, %arg6: memref<108xf32, #tpu.memory_space<vmem>>, %arg7: memref<8xf32, #tpu.memory_space<vmem>>, %arg8: memref<16xf32, #tpu.memory_space<vmem>>, %arg9: memref<16xf32, #tpu.memory_space<vmem>>, %arg10: memref<!tpu.dma_semaphore, #tpu.memory_space<semaphore_mem>>, %arg11: memref<!tpu.dma_semaphore, #tpu.memory_space<semaphore_mem>>) attributes {dimension_semantics = [#tpu.dimension_semantics<core_parallel>, #tpu.dimension_semantics<subcore_parallel>], iteration_bounds = array<i64: 1, 1>, scalar_prefetch = 0 : i64, scratch_operands = 6 : i64, tpu.core_type = #tpu.core_type<sc_vector_subcore>, window_params = [{transform_indices = #map}, {transform_indices = #map}, {transform_indices = #map}, {transform_indices = #map}]} {
    tpu.enqueue_dma source(%arg2 : memref<108xf32, #tpu.memory_space<hbm>>) target(%arg6 : memref<108xf32, #tpu.memory_space<vmem>>) target_semaphore(%arg10 : memref<!tpu.dma_semaphore, #tpu.memory_space<semaphore_mem>>)
    tpu.enqueue_dma source(%arg3 : memref<8xf32, #tpu.memory_space<hbm>>) target(%arg7 : memref<8xf32, #tpu.memory_space<vmem>>) target_semaphore(%arg11 : memref<!tpu.dma_semaphore, #tpu.memory_space<semaphore_mem>>)
    tpu.wait_dma2 semaphore(%arg10 : memref<!tpu.dma_semaphore, #tpu.memory_space<semaphore_mem>>) src(%arg2 : memref<108xf32, #tpu.memory_space<hbm>>) dst(%arg6 : memref<108xf32, #tpu.memory_space<vmem>>)
    tpu.wait_dma2 semaphore(%arg11 : memref<!tpu.dma_semaphore, #tpu.memory_space<semaphore_mem>>) src(%arg3 : memref<8xf32, #tpu.memory_space<hbm>>) dst(%arg7 : memref<8xf32, #tpu.memory_space<vmem>>)
    %iota3A = tpu.iota {dimensions = array<i32: 0>} : vector<16xi32>
    %shift_right_logical3A = arith.constant 2 : i32
    %shift_right_logical3A_0 = vector.broadcast %shift_right_logical3A : i32 to vector<16xi32>
    %shift_right_logical3A_1 = arith.shrui %iota3A, %shift_right_logical3A_0 : vector<16xi32>
    %and3A = arith.constant 3 : i32
    %and3A_2 = vector.broadcast %and3A : i32 to vector<16xi32>
    %and3A_3 = arith.andi %iota3A, %and3A_2 : vector<16xi32>
    %mul3A = arith.constant 8 : i32
    %mul3A_4 = vector.broadcast %mul3A : i32 to vector<16xi32>
    %mul3A_5 = arith.muli %shift_right_logical3A_1, %mul3A_4 : vector<16xi32>
    %mul3A_6 = arith.constant 2 : i32
    %mul3A_7 = vector.broadcast %mul3A_6 : i32 to vector<16xi32>
    %mul3A_8 = arith.muli %and3A_3, %mul3A_7 : vector<16xi32>
    %add3A = arith.constant 0 : i32
    %add3A_9 = vector.broadcast %add3A : i32 to vector<16xi32>
    %add3A_10 = arith.addi %shift_right_logical3A_1, %add3A_9 : vector<16xi32>
    %gather3A = tpu.vector_load_idx %arg6[%add3A_10] : memref<108xf32, #tpu.memory_space<vmem>>[vector<16xi32>], vector<16xf32>,
    %add3A_11 = arith.constant 8 : i32
    %add3A_12 = vector.broadcast %add3A_11 : i32 to vector<16xi32>
    %add3A_13 = arith.addi %and3A_3, %add3A_12 : vector<16xi32>
    %gather3A_14 = tpu.vector_load_idx %arg6[%add3A_13] : memref<108xf32, #tpu.memory_space<vmem>>[vector<16xi32>], vector<16xf32>,
    %add3A_15 = arith.addi %mul3A_5, %mul3A_8 : vector<16xi32>
    %add3A_16 = arith.constant 76 : i32
    %add3A_17 = vector.broadcast %add3A_16 : i32 to vector<16xi32>
    %add3A_18 = arith.addi %add3A_15, %add3A_17 : vector<16xi32>
    %gather3A_19 = tpu.vector_load_idx %arg6[%add3A_18] : memref<108xf32, #tpu.memory_space<vmem>>[vector<16xi32>], vector<16xf32>,
    %mul3A_20 = arith.mulf %gather3A_14, %gather3A_19 : vector<16xf32>
    %add3A_21 = arith.addi %mul3A_5, %mul3A_8 : vector<16xi32>
    %add3A_22 = arith.constant 77 : i32
    %add3A_23 = vector.broadcast %add3A_22 : i32 to vector<16xi32>
    %add3A_24 = arith.addi %add3A_21, %add3A_23 : vector<16xi32>
    %gather3A_25 = tpu.vector_load_idx %arg6[%add3A_24] : memref<108xf32, #tpu.memory_space<vmem>>[vector<16xi32>], vector<16xf32>,
    %mul3A_26 = arith.mulf %gather3A_14, %gather3A_25 : vector<16xf32>
    %mul3A_27 = arith.constant 0 : i32
    %mul3A_28 = vector.broadcast %mul3A_27 : i32 to vector<16xi32>
    %mul3A_29 = arith.muli %iota3A, %mul3A_28 : vector<16xi32>
    %add3A_30 = arith.constant 4 : i32
    %add3A_31 = vector.broadcast %add3A_30 : i32 to vector<16xi32>
    %add3A_32 = arith.addi %mul3A_29, %add3A_31 : vector<16xi32>
    %gather3A_33 = tpu.vector_load_idx %arg6[%add3A_32] : memref<108xf32, #tpu.memory_space<vmem>>[vector<16xi32>], vector<16xf32>,
    %mul3A_34 = arith.mulf %gather3A, %gather3A_33 : vector<16xf32>
    %add3A_35 = arith.constant 12 : i32
    %add3A_36 = vector.broadcast %add3A_35 : i32 to vector<16xi32>
    %add3A_37 = arith.addi %mul3A_5, %add3A_36 : vector<16xi32>
    %gather3A_38 = tpu.vector_load_idx %arg6[%add3A_37] : memref<108xf32, #tpu.memory_space<vmem>>[vector<16xi32>], vector<16xf32>,
    %add3A_39 = arith.constant 13 : i32
    %add3A_40 = vector.broadcast %add3A_39 : i32 to vector<16xi32>
    %add3A_41 = arith.addi %mul3A_5, %add3A_40 : vector<16xi32>
    %gather3A_42 = tpu.vector_load_idx %arg6[%add3A_41] : memref<108xf32, #tpu.memory_space<vmem>>[vector<16xi32>], vector<16xf32>,
    %add3A_43 = arith.constant 44 : i32
    %add3A_44 = vector.broadcast %add3A_43 : i32 to vector<16xi32>
    %add3A_45 = arith.addi %mul3A_8, %add3A_44 : vector<16xi32>
    %gather3A_46 = tpu.vector_load_idx %arg6[%add3A_45] : memref<108xf32, #tpu.memory_space<vmem>>[vector<16xi32>], vector<16xf32>,
    %add3A_47 = arith.constant 45 : i32
    %add3A_48 = vector.broadcast %add3A_47 : i32 to vector<16xi32>
    %add3A_49 = arith.addi %mul3A_8, %add3A_48 : vector<16xi32>
    %gather3A_50 = tpu.vector_load_idx %arg6[%add3A_49] : memref<108xf32, #tpu.memory_space<vmem>>[vector<16xi32>], vector<16xf32>,
    %mul3A_51 = arith.mulf %mul3A_34, %gather3A_38 : vector<16xf32>
    %mul3A_52 = arith.mulf %mul3A_51, %gather3A_46 : vector<16xf32>
    %mul3A_53 = arith.mulf %mul3A_51, %gather3A_50 : vector<16xf32>
    %mul3A_54 = arith.mulf %mul3A_34, %gather3A_42 : vector<16xf32>
    %mul3A_55 = arith.mulf %mul3A_54, %gather3A_46 : vector<16xf32>
    %mul3A_56 = arith.mulf %mul3A_54, %gather3A_50 : vector<16xf32>
    %mul3A_57 = arith.constant 0 : i32
    %mul3A_58 = vector.broadcast %mul3A_57 : i32 to vector<16xi32>
    %mul3A_59 = arith.muli %iota3A, %mul3A_58 : vector<16xi32>
    %add3A_60 = arith.constant 5 : i32
    %add3A_61 = vector.broadcast %add3A_60 : i32 to vector<16xi32>
    %add3A_62 = arith.addi %mul3A_59, %add3A_61 : vector<16xi32>
    %gather3A_63 = tpu.vector_load_idx %arg6[%add3A_62] : memref<108xf32, #tpu.memory_space<vmem>>[vector<16xi32>], vector<16xf32>,
    %mul3A_64 = arith.mulf %gather3A, %gather3A_63 : vector<16xf32>
    %add3A_65 = arith.constant 14 : i32
    %add3A_66 = vector.broadcast %add3A_65 : i32 to vector<16xi32>
    %add3A_67 = arith.addi %mul3A_5, %add3A_66 : vector<16xi32>
    %gather3A_68 = tpu.vector_load_idx %arg6[%add3A_67] : memref<108xf32, #tpu.memory_space<vmem>>[vector<16xi32>], vector<16xf32>,
    %add3A_69 = arith.constant 15 : i32
    %add3A_70 = vector.broadcast %add3A_69 : i32 to vector<16xi32>
    %add3A_71 = arith.addi %mul3A_5, %add3A_70 : vector<16xi32>
    %gather3A_72 = tpu.vector_load_idx %arg6[%add3A_71] : memref<108xf32, #tpu.memory_space<vmem>>[vector<16xi32>], vector<16xf32>,
    %add3A_73 = arith.constant 52 : i32
    %add3A_74 = vector.broadcast %add3A_73 : i32 to vector<16xi32>
    %add3A_75 = arith.addi %mul3A_8, %add3A_74 : vector<16xi32>
    %gather3A_76 = tpu.vector_load_idx %arg6[%add3A_75] : memref<108xf32, #tpu.memory_space<vmem>>[vector<16xi32>], vector<16xf32>,
    %add3A_77 = arith.constant 53 : i32
    %add3A_78 = vector.broadcast %add3A_77 : i32 to vector<16xi32>
    %add3A_79 = arith.addi %mul3A_8, %add3A_78 : vector<16xi32>
    %gather3A_80 = tpu.vector_load_idx %arg6[%add3A_79] : memref<108xf32, #tpu.memory_space<vmem>>[vector<16xi32>], vector<16xf32>,
    %mul3A_81 = arith.mulf %mul3A_64, %gather3A_68 : vector<16xf32>
    %mul3A_82 = arith.mulf %mul3A_81, %gather3A_76 : vector<16xf32>
    %add3A_83 = arith.addf %mul3A_52, %mul3A_82 : vector<16xf32>
    %mul3A_84 = arith.mulf %mul3A_81, %gather3A_80 : vector<16xf32>
    %add3A_85 = arith.addf %mul3A_53, %mul3A_84 : vector<16xf32>
    %mul3A_86 = arith.mulf %mul3A_64, %gather3A_72 : vector<16xf32>
    %mul3A_87 = arith.mulf %mul3A_86, %gather3A_76 : vector<16xf32>
    %add3A_88 = arith.addf %mul3A_55, %mul3A_87 : vector<16xf32>
    %mul3A_89 = arith.mulf %mul3A_86, %gather3A_80 : vector<16xf32>
    %add3A_90 = arith.addf %mul3A_56, %mul3A_89 : vector<16xf32>
    %mul3A_91 = arith.constant 0 : i32
    %mul3A_92 = vector.broadcast %mul3A_91 : i32 to vector<16xi32>
    %mul3A_93 = arith.muli %iota3A, %mul3A_92 : vector<16xi32>
    %add3A_94 = arith.constant 6 : i32
    %add3A_95 = vector.broadcast %add3A_94 : i32 to vector<16xi32>
    %add3A_96 = arith.addi %mul3A_93, %add3A_95 : vector<16xi32>
    %gather3A_97 = tpu.vector_load_idx %arg6[%add3A_96] : memref<108xf32, #tpu.memory_space<vmem>>[vector<16xi32>], vector<16xf32>,
    %mul3A_98 = arith.mulf %gather3A, %gather3A_97 : vector<16xf32>
    %add3A_99 = arith.constant 16 : i32
    %add3A_100 = vector.broadcast %add3A_99 : i32 to vector<16xi32>
    %add3A_101 = arith.addi %mul3A_5, %add3A_100 : vector<16xi32>
    %gather3A_102 = tpu.vector_load_idx %arg6[%add3A_101] : memref<108xf32, #tpu.memory_space<vmem>>[vector<16xi32>], vector<16xf32>,
    %add3A_103 = arith.constant 17 : i32
    %add3A_104 = vector.broadcast %add3A_103 : i32 to vector<16xi32>
    %add3A_105 = arith.addi %mul3A_5, %add3A_104 : vector<16xi32>
    %gather3A_106 = tpu.vector_load_idx %arg6[%add3A_105] : memref<108xf32, #tpu.memory_space<vmem>>[vector<16xi32>], vector<16xf32>,
    %add3A_107 = arith.constant 60 : i32
    %add3A_108 = vector.broadcast %add3A_107 : i32 to vector<16xi32>
    %add3A_109 = arith.addi %mul3A_8, %add3A_108 : vector<16xi32>
    %gather3A_110 = tpu.vector_load_idx %arg6[%add3A_109] : memref<108xf32, #tpu.memory_space<vmem>>[vector<16xi32>], vector<16xf32>,
    %add3A_111 = arith.constant 61 : i32
    %add3A_112 = vector.broadcast %add3A_111 : i32 to vector<16xi32>
    %add3A_113 = arith.addi %mul3A_8, %add3A_112 : vector<16xi32>
    %gather3A_114 = tpu.vector_load_idx %arg6[%add3A_113] : memref<108xf32, #tpu.memory_space<vmem>>[vector<16xi32>], vector<16xf32>,
    %mul3A_115 = arith.mulf %mul3A_98, %gather3A_102 : vector<16xf32>
    %mul3A_116 = arith.mulf %mul3A_115, %gather3A_110 : vector<16xf32>
    %add3A_117 = arith.addf %add3A_83, %mul3A_116 : vector<16xf32>
    %mul3A_118 = arith.mulf %mul3A_115, %gather3A_114 : vector<16xf32>
    %add3A_119 = arith.addf %add3A_85, %mul3A_118 : vector<16xf32>
    %mul3A_120 = arith.mulf %mul3A_98, %gather3A_106 : vector<16xf32>
    %mul3A_121 = arith.mulf %mul3A_120, %gather3A_110 : vector<16xf32>
    %add3A_122 = arith.addf %add3A_88, %mul3A_121 : vector<16xf32>
    %mul3A_123 = arith.mulf %mul3A_120, %gather3A_114 : vector<16xf32>
    %add3A_124 = arith.addf %add3A_90, %mul3A_123 : vector<16xf32>
    %mul3A_125 = arith.constant 0 : i32
    %mul3A_126 = vector.broadcast %mul3A_125 : i32 to vector<16xi32>
    %mul3A_127 = arith.muli %iota3A, %mul3A_126 : vector<16xi32>
    %add3A_128 = arith.constant 7 : i32
    %add3A_129 = vector.broadcast %add3A_128 : i32 to vector<16xi32>
    %add3A_130 = arith.addi %mul3A_127, %add3A_129 : vector<16xi32>
    %gather3A_131 = tpu.vector_load_idx %arg6[%add3A_130] : memref<108xf32, #tpu.memory_space<vmem>>[vector<16xi32>], vector<16xf32>,
    %mul3A_132 = arith.mulf %gather3A, %gather3A_131 : vector<16xf32>
    %add3A_133 = arith.constant 18 : i32
    %add3A_134 = vector.broadcast %add3A_133 : i32 to vector<16xi32>
    %add3A_135 = arith.addi %mul3A_5, %add3A_134 : vector<16xi32>
    %gather3A_136 = tpu.vector_load_idx %arg6[%add3A_135] : memref<108xf32, #tpu.memory_space<vmem>>[vector<16xi32>], vector<16xf32>,
    %add3A_137 = arith.constant 19 : i32
    %add3A_138 = vector.broadcast %add3A_137 : i32 to vector<16xi32>
    %add3A_139 = arith.addi %mul3A_5, %add3A_138 : vector<16xi32>
    %gather3A_140 = tpu.vector_load_idx %arg6[%add3A_139] : memref<108xf32, #tpu.memory_space<vmem>>[vector<16xi32>], vector<16xf32>,
    %add3A_141 = arith.constant 68 : i32
    %add3A_142 = vector.broadcast %add3A_141 : i32 to vector<16xi32>
    %add3A_143 = arith.addi %mul3A_8, %add3A_142 : vector<16xi32>
    %gather3A_144 = tpu.vector_load_idx %arg6[%add3A_143] : memref<108xf32, #tpu.memory_space<vmem>>[vector<16xi32>], vector<16xf32>,
    %add3A_145 = arith.constant 69 : i32
    %add3A_146 = vector.broadcast %add3A_145 : i32 to vector<16xi32>
    %add3A_147 = arith.addi %mul3A_8, %add3A_146 : vector<16xi32>
    %gather3A_148 = tpu.vector_load_idx %arg6[%add3A_147] : memref<108xf32, #tpu.memory_space<vmem>>[vector<16xi32>], vector<16xf32>,
    %mul3A_149 = arith.mulf %mul3A_132, %gather3A_136 : vector<16xf32>
    %mul3A_150 = arith.mulf %mul3A_149, %gather3A_144 : vector<16xf32>
    %add3A_151 = arith.addf %add3A_117, %mul3A_150 : vector<16xf32>
    %mul3A_152 = arith.mulf %mul3A_149, %gather3A_148 : vector<16xf32>
    %add3A_153 = arith.addf %add3A_119, %mul3A_152 : vector<16xf32>
    %mul3A_154 = arith.mulf %mul3A_132, %gather3A_140 : vector<16xf32>
    %mul3A_155 = arith.mulf %mul3A_154, %gather3A_144 : vector<16xf32>
    %add3A_156 = arith.addf %add3A_122, %mul3A_155 : vector<16xf32>
    %mul3A_157 = arith.mulf %mul3A_154, %gather3A_148 : vector<16xf32>
    %add3A_158 = arith.addf %add3A_124, %mul3A_157 : vector<16xf32>
    %mul3A_159 = arith.constant 0.000000e+00 : f32
    %mul3A_160 = vector.broadcast %mul3A_159 : f32 to vector<16xf32>
    %mul3A_161 = arith.mulf %gather3A, %mul3A_160 : vector<16xf32>
    %mul3A_162 = arith.mulf %add3A_151, %mul3A_20 : vector<16xf32>
    %reduce_sum3A = arith.constant true
    %reduce_sum3A_163 = vector.broadcast %reduce_sum3A : i1 to vector<16xi1>
    %reduce_sum3A_164 = tpu.scan <sum>, %mul3A_162 masked %reduce_sum3A_163 : vector<16xf32>, vector<16xi1> -> vector<16xf32>
    %reduce_sum3A_165 = vector.extract %reduce_sum3A_164[15] : f32 from vector<16xf32>
    %eq3A = arith.constant 0 : i32
    %eq3A_166 = vector.broadcast %eq3A : i32 to vector<16xi32>
    %eq3A_167 = arith.cmpi eq, %iota3A, %eq3A_166 : vector<16xi32>
    %broadcast_in_dim3A = vector.broadcast %reduce_sum3A_165 : f32 to vector<16xf32>
    %select_n3A = arith.select %eq3A_167, %broadcast_in_dim3A, %mul3A_161 : vector<16xi1>, vector<16xf32>
    %mul3A_168 = arith.mulf %add3A_151, %mul3A_26 : vector<16xf32>
    %reduce_sum3A_169 = arith.constant true
    %reduce_sum3A_170 = vector.broadcast %reduce_sum3A_169 : i1 to vector<16xi1>
    %reduce_sum3A_171 = tpu.scan <sum>, %mul3A_168 masked %reduce_sum3A_170 : vector<16xf32>, vector<16xi1> -> vector<16xf32>
    %reduce_sum3A_172 = vector.extract %reduce_sum3A_171[15] : f32 from vector<16xf32>
    %eq3A_173 = arith.constant 1 : i32
    %eq3A_174 = vector.broadcast %eq3A_173 : i32 to vector<16xi32>
    %eq3A_175 = arith.cmpi eq, %iota3A, %eq3A_174 : vector<16xi32>
    %broadcast_in_dim3A_176 = vector.broadcast %reduce_sum3A_172 : f32 to vector<16xf32>
    %select_n3A_177 = arith.select %eq3A_175, %broadcast_in_dim3A_176, %select_n3A : vector<16xi1>, vector<16xf32>
    %mul3A_178 = arith.mulf %add3A_153, %mul3A_20 : vector<16xf32>
    %reduce_sum3A_179 = arith.constant true
    %reduce_sum3A_180 = vector.broadcast %reduce_sum3A_179 : i1 to vector<16xi1>
    %reduce_sum3A_181 = tpu.scan <sum>, %mul3A_178 masked %reduce_sum3A_180 : vector<16xf32>, vector<16xi1> -> vector<16xf32>
    %reduce_sum3A_182 = vector.extract %reduce_sum3A_181[15] : f32 from vector<16xf32>
    %eq3A_183 = arith.constant 2 : i32
    %eq3A_184 = vector.broadcast %eq3A_183 : i32 to vector<16xi32>
    %eq3A_185 = arith.cmpi eq, %iota3A, %eq3A_184 : vector<16xi32>
    %broadcast_in_dim3A_186 = vector.broadcast %reduce_sum3A_182 : f32 to vector<16xf32>
    %select_n3A_187 = arith.select %eq3A_185, %broadcast_in_dim3A_186, %select_n3A_177 : vector<16xi1>, vector<16xf32>
    %mul3A_188 = arith.mulf %add3A_153, %mul3A_26 : vector<16xf32>
    %reduce_sum3A_189 = arith.constant true
    %reduce_sum3A_190 = vector.broadcast %reduce_sum3A_189 : i1 to vector<16xi1>
    %reduce_sum3A_191 = tpu.scan <sum>, %mul3A_188 masked %reduce_sum3A_190 : vector<16xf32>, vector<16xi1> -> vector<16xf32>
    %reduce_sum3A_192 = vector.extract %reduce_sum3A_191[15] : f32 from vector<16xf32>
    %eq3A_193 = arith.constant 3 : i32
    %eq3A_194 = vector.broadcast %eq3A_193 : i32 to vector<16xi32>
    %eq3A_195 = arith.cmpi eq, %iota3A, %eq3A_194 : vector<16xi32>
    %broadcast_in_dim3A_196 = vector.broadcast %reduce_sum3A_192 : f32 to vector<16xf32>
    %select_n3A_197 = arith.select %eq3A_195, %broadcast_in_dim3A_196, %select_n3A_187 : vector<16xi1>, vector<16xf32>
    %mul3A_198 = arith.mulf %add3A_156, %mul3A_20 : vector<16xf32>
    %reduce_sum3A_199 = arith.constant true
    %reduce_sum3A_200 = vector.broadcast %reduce_sum3A_199 : i1 to vector<16xi1>
    %reduce_sum3A_201 = tpu.scan <sum>, %mul3A_198 masked %reduce_sum3A_200 : vector<16xf32>, vector<16xi1> -> vector<16xf32>
    %reduce_sum3A_202 = vector.extract %reduce_sum3A_201[15] : f32 from vector<16xf32>
    %eq3A_203 = arith.constant 4 : i32
    %eq3A_204 = vector.broadcast %eq3A_203 : i32 to vector<16xi32>
    %eq3A_205 = arith.cmpi eq, %iota3A, %eq3A_204 : vector<16xi32>
    %broadcast_in_dim3A_206 = vector.broadcast %reduce_sum3A_202 : f32 to vector<16xf32>
    %select_n3A_207 = arith.select %eq3A_205, %broadcast_in_dim3A_206, %select_n3A_197 : vector<16xi1>, vector<16xf32>
    %mul3A_208 = arith.mulf %add3A_156, %mul3A_26 : vector<16xf32>
    %reduce_sum3A_209 = arith.constant true
    %reduce_sum3A_210 = vector.broadcast %reduce_sum3A_209 : i1 to vector<16xi1>
    %reduce_sum3A_211 = tpu.scan <sum>, %mul3A_208 masked %reduce_sum3A_210 : vector<16xf32>, vector<16xi1> -> vector<16xf32>
    %reduce_sum3A_212 = vector.extract %reduce_sum3A_211[15] : f32 from vector<16xf32>
    %eq3A_213 = arith.constant 5 : i32
    %eq3A_214 = vector.broadcast %eq3A_213 : i32 to vector<16xi32>
    %eq3A_215 = arith.cmpi eq, %iota3A, %eq3A_214 : vector<16xi32>
    %broadcast_in_dim3A_216 = vector.broadcast %reduce_sum3A_212 : f32 to vector<16xf32>
    %select_n3A_217 = arith.select %eq3A_215, %broadcast_in_dim3A_216, %select_n3A_207 : vector<16xi1>, vector<16xf32>
    %mul3A_218 = arith.mulf %add3A_158, %mul3A_20 : vector<16xf32>
    %reduce_sum3A_219 = arith.constant true
    %reduce_sum3A_220 = vector.broadcast %reduce_sum3A_219 : i1 to vector<16xi1>
    %reduce_sum3A_221 = tpu.scan <sum>, %mul3A_218 masked %reduce_sum3A_220 : vector<16xf32>, vector<16xi1> -> vector<16xf32>
    %reduce_sum3A_222 = vector.extract %reduce_sum3A_221[15] : f32 from vector<16xf32>
    %eq3A_223 = arith.constant 6 : i32
    %eq3A_224 = vector.broadcast %eq3A_223 : i32 to vector<16xi32>
    %eq3A_225 = arith.cmpi eq, %iota3A, %eq3A_224 : vector<16xi32>
    %broadcast_in_dim3A_226 = vector.broadcast %reduce_sum3A_222 : f32 to vector<16xf32>
    %select_n3A_227 = arith.select %eq3A_225, %broadcast_in_dim3A_226, %select_n3A_217 : vector<16xi1>, vector<16xf32>
    %mul3A_228 = arith.mulf %add3A_158, %mul3A_26 : vector<16xf32>
    %reduce_sum3A_229 = arith.constant true
    %reduce_sum3A_230 = vector.broadcast %reduce_sum3A_229 : i1 to vector<16xi1>
    %reduce_sum3A_231 = tpu.scan <sum>, %mul3A_228 masked %reduce_sum3A_230 : vector<16xf32>, vector<16xi1> -> vector<16xf32>
    %reduce_sum3A_232 = vector.extract %reduce_sum3A_231[15] : f32 from vector<16xf32>
    %eq3A_233 = arith.constant 7 : i32
    %eq3A_234 = vector.broadcast %eq3A_233 : i32 to vector<16xi32>
    %eq3A_235 = arith.cmpi eq, %iota3A, %eq3A_234 : vector<16xi32>
    %broadcast_in_dim3A_236 = vector.broadcast %reduce_sum3A_232 : f32 to vector<16xf32>
    %select_n3A_237 = arith.select %eq3A_235, %broadcast_in_dim3A_236, %select_n3A_227 : vector<16xi1>, vector<16xf32>
    %swap3A = arith.constant 0 : index
    %swap3A_238 = tpu.vector_load %arg8[%swap3A] {strides = array<i32>} : memref<16xf32, #tpu.memory_space<vmem>>, vector<16xf32>,
    tpu.vector_store %arg8[%swap3A], %select_n3A_237 {strides = array<i32>} : memref<16xf32, #tpu.memory_space<vmem>>, vector<16xf32>,
    %dma_start3A = arith.constant 0 : i32
    %dma_start3A_239 = tpu.memref_slice %arg8[%dma_start3A] : memref<16xf32, #tpu.memory_space<vmem>> -> memref<8xf32, #tpu.memory_space<vmem>>
    %dma_start3A_240 = arith.constant 0 : i32
    %dma_start3A_241 = tpu.memref_slice %arg8[%dma_start3A_240] : memref<16xf32, #tpu.memory_space<vmem>> -> memref<8xf32, #tpu.memory_space<vmem>>
    tpu.enqueue_dma source(%dma_start3A_241 : memref<8xf32, #tpu.memory_space<vmem>>) target(%arg4 : memref<8xf32, #tpu.memory_space<hbm>>) target_semaphore(%arg10 : memref<!tpu.dma_semaphore, #tpu.memory_space<semaphore_mem>>)
    %lt3A = arith.constant 8 : i32
    %lt3A_242 = vector.broadcast %lt3A : i32 to vector<16xi32>
    %lt3A_243 = arith.cmpi slt, %iota3A, %lt3A_242 : vector<16xi32>
    %and3A_244 = arith.constant 7 : i32
    %and3A_245 = vector.broadcast %and3A_244 : i32 to vector<16xi32>
    %and3A_246 = arith.andi %iota3A, %and3A_245 : vector<16xi32>
    %gather3A_247 = tpu.vector_load_idx %arg7[%and3A_246] : memref<8xf32, #tpu.memory_space<vmem>>[vector<16xi32>], vector<16xf32>,
    %jit3A = arith.constant 0.000000e+00 : f32
    %broadcast_in_dim3A_248 = vector.broadcast %jit3A : f32 to vector<16xf32>
    %select_n3A_249 = arith.select %lt3A_243, %gather3A_247, %broadcast_in_dim3A_248 : vector<16xi1>, vector<16xf32>
    %max3A = arith.constant 1.000000e-10 : f32
    %max3A_250 = vector.broadcast %max3A : f32 to vector<16xf32>
    %max3A_251 = arith.maximumf %select_n3A_237, %max3A_250 : vector<16xf32>
    %min3A = arith.constant 1.000000e+00 : f32
    %min3A_252 = vector.broadcast %min3A : f32 to vector<16xf32>
    %min3A_253 = arith.minimumf %max3A_251, %min3A_252 : vector<16xf32>
    %add3A_254 = arith.constant 1.000000e-10 : f32
    %add3A_255 = vector.broadcast %add3A_254 : f32 to vector<16xf32>
    %add3A_256 = arith.addf %select_n3A_249, %add3A_255 : vector<16xf32>
    %bitcast_convert_type3A = tpu.bitcast %add3A_256 : vector<16xf32> -> vector<16xi32>
    %shift_right_arithmetic3A = arith.constant 23 : i32
    %shift_right_arithmetic3A_257 = vector.broadcast %shift_right_arithmetic3A : i32 to vector<16xi32>
    %shift_right_arithmetic3A_258 = arith.shrsi %bitcast_convert_type3A, %shift_right_arithmetic3A_257 : vector<16xi32>
    %sub3A = arith.constant 127 : i32
    %sub3A_259 = vector.broadcast %sub3A : i32 to vector<16xi32>
    %sub3A_260 = arith.subi %shift_right_arithmetic3A_258, %sub3A_259 : vector<16xi32>
    %and3A_261 = arith.constant 8388607 : i32
    %and3A_262 = vector.broadcast %and3A_261 : i32 to vector<16xi32>
    %and3A_263 = arith.andi %bitcast_convert_type3A, %and3A_262 : vector<16xi32>
    %or3A = arith.constant 1065353216 : i32
    %or3A_264 = vector.broadcast %or3A : i32 to vector<16xi32>
    %or3A_265 = arith.ori %and3A_263, %or3A_264 : vector<16xi32>
    %bitcast_convert_type3A_266 = tpu.bitcast %or3A_265 : vector<16xi32> -> vector<16xf32>
    %gt3A = arith.constant 1.41421354 : f32
    %gt3A_267 = vector.broadcast %gt3A : f32 to vector<16xf32>
    %gt3A_268 = arith.cmpf ogt, %bitcast_convert_type3A_266, %gt3A_267 : vector<16xf32>
    %mul3A_269 = arith.constant 5.000000e-01 : f32
    %mul3A_270 = vector.broadcast %mul3A_269 : f32 to vector<16xf32>
    %mul3A_271 = arith.mulf %bitcast_convert_type3A_266, %mul3A_270 : vector<16xf32>
    %select_n3A_272 = arith.select %gt3A_268, %mul3A_271, %bitcast_convert_type3A_266 : vector<16xi1>, vector<16xf32>
    %jit3A_273 = arith.constant 1 : i32
    %jit3A_274 = arith.constant 0 : i32
    %broadcast_in_dim3A_275 = vector.broadcast %jit3A_273 : i32 to vector<16xi32>
    %broadcast_in_dim3A_276 = vector.broadcast %jit3A_274 : i32 to vector<16xi32>
    %select_n3A_277 = arith.select %gt3A_268, %broadcast_in_dim3A_275, %broadcast_in_dim3A_276 : vector<16xi1>, vector<16xi32>
    %add3A_278 = arith.addi %sub3A_260, %select_n3A_277 : vector<16xi32>
    %convert_element_type3A = arith.sitofp %add3A_278 : vector<16xi32> to vector<16xf32>
    %sub3A_279 = arith.constant 1.000000e+00 : f32
    %sub3A_280 = vector.broadcast %sub3A_279 : f32 to vector<16xf32>
    %sub3A_281 = arith.subf %select_n3A_272, %sub3A_280 : vector<16xf32>
    %add3A_282 = arith.constant 1.000000e+00 : f32
    %add3A_283 = vector.broadcast %add3A_282 : f32 to vector<16xf32>
    %add3A_284 = arith.addf %select_n3A_272, %add3A_283 : vector<16xf32>
    %div3A = arith.divf %sub3A_281, %add3A_284 : vector<16xf32>
    %mul3A_285 = arith.mulf %div3A, %div3A : vector<16xf32>
    %mul3A_286 = arith.constant 0.111111112 : f32
    %mul3A_287 = vector.broadcast %mul3A_286 : f32 to vector<16xf32>
    %mul3A_288 = arith.mulf %mul3A_287, %mul3A_285 : vector<16xf32>
    %add3A_289 = arith.constant 0.142857149 : f32
    %add3A_290 = vector.broadcast %add3A_289 : f32 to vector<16xf32>
    %add3A_291 = arith.addf %mul3A_288, %add3A_290 : vector<16xf32>
    %mul3A_292 = arith.mulf %add3A_291, %mul3A_285 : vector<16xf32>
    %add3A_293 = arith.constant 2.000000e-01 : f32
    %add3A_294 = vector.broadcast %add3A_293 : f32 to vector<16xf32>
    %add3A_295 = arith.addf %mul3A_292, %add3A_294 : vector<16xf32>
    %mul3A_296 = arith.mulf %add3A_295, %mul3A_285 : vector<16xf32>
    %add3A_297 = arith.constant 0.333333343 : f32
    %add3A_298 = vector.broadcast %add3A_297 : f32 to vector<16xf32>
    %add3A_299 = arith.addf %mul3A_296, %add3A_298 : vector<16xf32>
    %mul3A_300 = arith.mulf %add3A_299, %mul3A_285 : vector<16xf32>
    %add3A_301 = arith.constant 1.000000e+00 : f32
    %add3A_302 = vector.broadcast %add3A_301 : f32 to vector<16xf32>
    %add3A_303 = arith.addf %mul3A_300, %add3A_302 : vector<16xf32>
    %mul3A_304 = arith.constant 2.000000e+00 : f32
    %mul3A_305 = vector.broadcast %mul3A_304 : f32 to vector<16xf32>
    %mul3A_306 = arith.mulf %mul3A_305, %div3A : vector<16xf32>
    %mul3A_307 = arith.mulf %mul3A_306, %add3A_303 : vector<16xf32>
    %mul3A_308 = arith.constant 0.693147182 : f32
    %mul3A_309 = vector.broadcast %mul3A_308 : f32 to vector<16xf32>
    %mul3A_310 = arith.mulf %convert_element_type3A, %mul3A_309 : vector<16xf32>
    %add3A_311 = arith.addf %mul3A_307, %mul3A_310 : vector<16xf32>
    %bitcast_convert_type3A_312 = tpu.bitcast %min3A_253 : vector<16xf32> -> vector<16xi32>
    %shift_right_arithmetic3A_313 = arith.constant 23 : i32
    %shift_right_arithmetic3A_314 = vector.broadcast %shift_right_arithmetic3A_313 : i32 to vector<16xi32>
    %shift_right_arithmetic3A_315 = arith.shrsi %bitcast_convert_type3A_312, %shift_right_arithmetic3A_314 : vector<16xi32>
    %sub3A_316 = arith.constant 127 : i32
    %sub3A_317 = vector.broadcast %sub3A_316 : i32 to vector<16xi32>
    %sub3A_318 = arith.subi %shift_right_arithmetic3A_315, %sub3A_317 : vector<16xi32>
    %and3A_319 = arith.constant 8388607 : i32
    %and3A_320 = vector.broadcast %and3A_319 : i32 to vector<16xi32>
    %and3A_321 = arith.andi %bitcast_convert_type3A_312, %and3A_320 : vector<16xi32>
    %or3A_322 = arith.constant 1065353216 : i32
    %or3A_323 = vector.broadcast %or3A_322 : i32 to vector<16xi32>
    %or3A_324 = arith.ori %and3A_321, %or3A_323 : vector<16xi32>
    %bitcast_convert_type3A_325 = tpu.bitcast %or3A_324 : vector<16xi32> -> vector<16xf32>
    %gt3A_326 = arith.constant 1.41421354 : f32
    %gt3A_327 = vector.broadcast %gt3A_326 : f32 to vector<16xf32>
    %gt3A_328 = arith.cmpf ogt, %bitcast_convert_type3A_325, %gt3A_327 : vector<16xf32>
    %mul3A_329 = arith.constant 5.000000e-01 : f32
    %mul3A_330 = vector.broadcast %mul3A_329 : f32 to vector<16xf32>
    %mul3A_331 = arith.mulf %bitcast_convert_type3A_325, %mul3A_330 : vector<16xf32>
    %select_n3A_332 = arith.select %gt3A_328, %mul3A_331, %bitcast_convert_type3A_325 : vector<16xi1>, vector<16xf32>
    %jit3A_333 = arith.constant 1 : i32
    %jit3A_334 = arith.constant 0 : i32
    %broadcast_in_dim3A_335 = vector.broadcast %jit3A_333 : i32 to vector<16xi32>
    %broadcast_in_dim3A_336 = vector.broadcast %jit3A_334 : i32 to vector<16xi32>
    %select_n3A_337 = arith.select %gt3A_328, %broadcast_in_dim3A_335, %broadcast_in_dim3A_336 : vector<16xi1>, vector<16xi32>
    %add3A_338 = arith.addi %sub3A_318, %select_n3A_337 : vector<16xi32>
    %convert_element_type3A_339 = arith.sitofp %add3A_338 : vector<16xi32> to vector<16xf32>
    %sub3A_340 = arith.constant 1.000000e+00 : f32
    %sub3A_341 = vector.broadcast %sub3A_340 : f32 to vector<16xf32>
    %sub3A_342 = arith.subf %select_n3A_332, %sub3A_341 : vector<16xf32>
    %add3A_343 = arith.constant 1.000000e+00 : f32
    %add3A_344 = vector.broadcast %add3A_343 : f32 to vector<16xf32>
    %add3A_345 = arith.addf %select_n3A_332, %add3A_344 : vector<16xf32>
    %div3A_346 = arith.divf %sub3A_342, %add3A_345 : vector<16xf32>
    %mul3A_347 = arith.mulf %div3A_346, %div3A_346 : vector<16xf32>
    %mul3A_348 = arith.constant 0.111111112 : f32
    %mul3A_349 = vector.broadcast %mul3A_348 : f32 to vector<16xf32>
    %mul3A_350 = arith.mulf %mul3A_349, %mul3A_347 : vector<16xf32>
    %add3A_351 = arith.constant 0.142857149 : f32
    %add3A_352 = vector.broadcast %add3A_351 : f32 to vector<16xf32>
    %add3A_353 = arith.addf %mul3A_350, %add3A_352 : vector<16xf32>
    %mul3A_354 = arith.mulf %add3A_353, %mul3A_347 : vector<16xf32>
    %add3A_355 = arith.constant 2.000000e-01 : f32
    %add3A_356 = vector.broadcast %add3A_355 : f32 to vector<16xf32>
    %add3A_357 = arith.addf %mul3A_354, %add3A_356 : vector<16xf32>
    %mul3A_358 = arith.mulf %add3A_357, %mul3A_347 : vector<16xf32>
    %add3A_359 = arith.constant 0.333333343 : f32
    %add3A_360 = vector.broadcast %add3A_359 : f32 to vector<16xf32>
    %add3A_361 = arith.addf %mul3A_358, %add3A_360 : vector<16xf32>
    %mul3A_362 = arith.mulf %add3A_361, %mul3A_347 : vector<16xf32>
    %add3A_363 = arith.constant 1.000000e+00 : f32
    %add3A_364 = vector.broadcast %add3A_363 : f32 to vector<16xf32>
    %add3A_365 = arith.addf %mul3A_362, %add3A_364 : vector<16xf32>
    %mul3A_366 = arith.constant 2.000000e+00 : f32
    %mul3A_367 = vector.broadcast %mul3A_366 : f32 to vector<16xf32>
    %mul3A_368 = arith.mulf %mul3A_367, %div3A_346 : vector<16xf32>
    %mul3A_369 = arith.mulf %mul3A_368, %add3A_365 : vector<16xf32>
    %mul3A_370 = arith.constant 0.693147182 : f32
    %mul3A_371 = vector.broadcast %mul3A_370 : f32 to vector<16xf32>
    %mul3A_372 = arith.mulf %convert_element_type3A_339, %mul3A_371 : vector<16xf32>
    %add3A_373 = arith.addf %mul3A_369, %mul3A_372 : vector<16xf32>
    %sub3A_374 = arith.subf %add3A_311, %add3A_373 : vector<16xf32>
    %mul3A_375 = arith.mulf %select_n3A_249, %sub3A_374 : vector<16xf32>
    %reduce_sum3A_376 = arith.constant true
    %reduce_sum3A_377 = vector.broadcast %reduce_sum3A_376 : i1 to vector<16xi1>
    %reduce_sum3A_378 = tpu.scan <sum>, %mul3A_375 masked %reduce_sum3A_377 : vector<16xf32>, vector<16xi1> -> vector<16xf32>
    %reduce_sum3A_379 = vector.extract %reduce_sum3A_378[15] : f32 from vector<16xf32>
    %mul3A_380 = arith.constant 0.000000e+00 : f32
    %mul3A_381 = vector.broadcast %mul3A_380 : f32 to vector<16xf32>
    %mul3A_382 = arith.mulf %select_n3A_237, %mul3A_381 : vector<16xf32>
    %add3A_383 = vector.broadcast %reduce_sum3A_379 : f32 to vector<16xf32>
    %add3A_384 = arith.addf %mul3A_382, %add3A_383 : vector<16xf32>
    %swap3A_385 = arith.constant 0 : index
    %swap3A_386 = tpu.vector_load %arg9[%swap3A_385] {strides = array<i32>} : memref<16xf32, #tpu.memory_space<vmem>>, vector<16xf32>,
    tpu.vector_store %arg9[%swap3A_385], %add3A_384 {strides = array<i32>} : memref<16xf32, #tpu.memory_space<vmem>>, vector<16xf32>,
    %dma_start3A_387 = arith.constant 0 : i32
    %dma_start3A_388 = tpu.memref_slice %arg9[%dma_start3A_387] : memref<16xf32, #tpu.memory_space<vmem>> -> memref<1xf32, #tpu.memory_space<vmem>>
    %dma_start3A_389 = arith.constant 0 : i32
    %dma_start3A_390 = tpu.memref_slice %arg9[%dma_start3A_389] : memref<16xf32, #tpu.memory_space<vmem>> -> memref<1xf32, #tpu.memory_space<vmem>>
    tpu.enqueue_dma source(%dma_start3A_390 : memref<1xf32, #tpu.memory_space<vmem>>) target(%arg5 : memref<1xf32, #tpu.memory_space<hbm>>) target_semaphore(%arg11 : memref<!tpu.dma_semaphore, #tpu.memory_space<semaphore_mem>>)
    %dma_wait3A = arith.constant 0 : i32
    %dma_wait3A_391 = tpu.memref_slice %arg8[%dma_wait3A] : memref<16xf32, #tpu.memory_space<vmem>> -> memref<8xf32, #tpu.memory_space<vmem>>
    %dma_wait3A_392 = arith.constant 0 : i32
    %dma_wait3A_393 = tpu.memref_slice %arg8[%dma_wait3A_392] : memref<16xf32, #tpu.memory_space<vmem>> -> memref<8xf32, #tpu.memory_space<vmem>>
    tpu.wait_dma2 semaphore(%arg10 : memref<!tpu.dma_semaphore, #tpu.memory_space<semaphore_mem>>) src(%dma_wait3A_393 : memref<8xf32, #tpu.memory_space<vmem>>) dst(%arg4 : memref<8xf32, #tpu.memory_space<hbm>>)
    %dma_wait3A_394 = arith.constant 0 : i32
    %dma_wait3A_395 = tpu.memref_slice %arg9[%dma_wait3A_394] : memref<16xf32, #tpu.memory_space<vmem>> -> memref<1xf32, #tpu.memory_space<vmem>>
    %dma_wait3A_396 = arith.constant 0 : i32
    %dma_wait3A_397 = tpu.memref_slice %arg9[%dma_wait3A_396] : memref<16xf32, #tpu.memory_space<vmem>> -> memref<1xf32, #tpu.memory_space<vmem>>
    tpu.wait_dma2 semaphore(%arg11 : memref<!tpu.dma_semaphore, #tpu.memory_space<semaphore_mem>>) src(%dma_wait3A_397 : memref<1xf32, #tpu.memory_space<vmem>>) dst(%arg5 : memref<1xf32, #tpu.memory_space<hbm>>)
    return
  }
}

</mosaic_0001>

<sc_bundles>
// kernel: kernel.3.cloned.1.call-start
scs
__scs_entry_jumppad:
0x0: {  	(pc) =	sbr.rel $0x88, $3  }
0x1: {  	(tag) =	ssettag $0x0;
	lr =	simm.s32 $0x1  }
0x2: {  	[smem:$0x3F9F] =	sst lr;
	_ =	strace $0xD0000000  }
0x3: {  	_ = 	snop  }
0x4: {  	_ = 	snop  }
0x5: {  	_ = 	snop  }
0x6: {  	_ = 	snop  }
0x7: {  	_ = 	snop  }
__scs_overlays_trampoline_lowered:
0x8: {  	[smem:$0x3FAE] =	sst s0  }
0x9: {  	[smem:$0x3FAF] =	sst s1  }
0xa: {  	[smem:$0x3FB0] =	sst s2  }
0xb: {  	[smem:$0x3FB1] =	sst s3  }
0xc: {  	[smem:$0x3FB2] =	sst s4  }
0xd: {  	[smem:$0x3FB3] =	sst s5  }
0xe: {  	[smem:$0x3FB4] =	sst s6  }
0xf: {  	[smem:$0x3FB5] =	sst s7  }
0x10: {  	[smem:$0x3FB6] =	sst s8  }
0x11: {  	[smem:$0x3FB7] =	sst s9;
	s0 =	simm.s32 @!p0 $0x0  }
0x12: {  	s1 =	sld [smem:$0x3F9D];
	s0 =	simm.s32 @p0 $0x1  }
0x13: {  	[smem:$0x3FB8] =	sst s0;
	s0 =	simm.s32 @!p1 $0x0  }
0x14: {  	s2 =	sld [smem:$0x3F9C];
	s0 =	simm.s32 @p1 $0x1  }
0x15: {  	[smem:$0x3FB9] =	sst s0;
	s0 =	simm.s32 @!p2 $0x0  }
0x16: {  	s3 =	sld [smem:$0x3FDB];
	s0 =	simm.s32 @p2 $0x1  }
0x17: {  	s4 =	simm.s32 $0x1BF5;
	[smem:$0x3FBB] =	sst s0  }
0x18: {  	s0 =	sld [smem:$0x3F9E];
	_ =	swait.ge [sflag:s4], $0x0  }
0x19: {  	s7 =	sld [smem:$0x3F9F]  }
0x1a: {  	s8 =	sadd.s32 $0xFFFFE003, lr  }
0x1b: {  	s9 =	sadd.s32 $0xFFFFFEF7, lr;
	s5 =	simm.s32 $0xFFFFFFFF;
	p2 =	slt.u32 s8, $0xFFFFF086  }
0x1c: {  	p1 =	slt.u32 s9, $0xF7A;
	s5 =	simm.s32 @!p2 $0x0  }
0x1d: {  	s5 =	simm.s32 @p1 $0x1;
	p0 =	seq.s32 s7, s2  }
0x1e: {  	s7 =	smul.u32 @!p0 $0xF7A, s2;
	p2 =	seq.s32 @!p0 s5, $0x0  }
0x1f: {  	s9 =	smul.u32 $0xF7A, s1;
	s8 =	simm.s32 @!p0 $0x1BF5;
	p2 =	por !p2, p0  }
0x20: {  	[sflag:s8] =	ssyncset.s32 @!p0 $0xFFFFF086;
	s6 =	sadd.s32 @!p0 s3, s7;
	s7 =	simm.s32 @!p0 $0x108  }
0x21: {  	s3 =	sadd.s32 s3, s9;
	s6 =	sadd.s32 @!p0 $0x88, s6;
	s7 =	simm.s32 @p2 $0x1082  }
0x22: {  	[simem:s7], [sflag:s8] =	dma.local @!p0 [hbm:s6], $0xF7A  }
0x23: {  	s9 =	sor.u32 $0xD0000000, s2;
	s6 =	simm.s32 $0x108;
	_ =	swait.ge @!p0 [sflag:s8], $0x0  }
0x24: {  	s3 =	sadd.s32 $0x88, s3;
	s6 =	simm.s32 @!p1 $0x1082;
	[sflag:s4] =	ssyncset.s32 $0xFFFFF086  }
0x25: {  	[simem:s6], [sflag:s4] =	dma.local [hbm:s3], $0xF7A  }
0x26: {  	[smem:$0x3F9F] =	sst s1;
	(tag) =	ssettag s2;
	_ =	strace s9  }
0x27: {  	s1 =	sld [smem:$0x3FAF]  }
0x28: {  	s2 =	sld [smem:$0x3FB0]  }
0x29: {  	s4 =	sld [smem:$0x3FB2]  }
0x2a: {  	p0 =	seq.s32 s5, $0x0;
	s5 =	sld [smem:$0x3FB3]  }
0x2b: {  	s6 =	sld [smem:$0x3FB4]  }
0x2c: {  	s7 =	sld [smem:$0x3FB5]  }
0x2d: {  	s3 =	simm.s32 $0x108;
	s8 =	sld [smem:$0x3FB6]  }
0x2e: {  	s3 =	simm.s32 @!p0 $0x1082;
	s9 =	sld [smem:$0x3FB7]  }
0x2f: {  	lr =	sadd.s32 s0, s3;
	s0 =	sld [smem:$0x3FAE]  }
0x30: {  	s3 =	sld [smem:$0x3FB1]  }
0x31: {  	[smem:$0x3FBA] =	sst s10  }
0x32: {  	s10 =	sld [smem:$0x3FB8];
	_ =	sdelay $0x3  }
0x33: {  	p0 =	seq.s32 s10, $0x1;
	s10 =	sld [smem:$0x3FBA];
	_ =	sdelay $0x3  }
0x34: {  	[smem:$0x3FBA] =	sst s10  }
0x35: {  	s10 =	sld [smem:$0x3FB9];
	_ =	sdelay $0x3  }
0x36: {  	p1 =	seq.s32 s10, $0x1;
	s10 =	sld [smem:$0x3FBA];
	_ =	sdelay $0x3  }
0x37: {  	[smem:$0x3FBA] =	sst s10  }
0x38: {  	s10 =	sld [smem:$0x3FBB]  }
0x39: {  	_ = 	snop;
	(pc) =	sbr.ind lr, $3  }
0x3a: {  	_ = 	snop  }
0x3b: {  	_ = 	snop  }
0x3c: {  	p2 =	seq.s32 s10, $0x1;
	s10 =	sld [smem:$0x3FBA]  }
0x3d: {  	_ =	shalt  }
0x3e: {  	_ =	shalt  }
0x3f: {  	_ =	shalt  }
0x40: {  	_ =	shalt  }
0x41: {  	_ =	shalt  }
0x42: {  	_ =	shalt  }
0x43: {  	_ =	shalt  }
0x44: {  	_ =	shalt  }
0x45: {  	_ =	shalt  }
0x46: {  	_ =	shalt  }
0x47: {  	_ =	shalt  }
0x48: {  	_ =	shalt  }
0x49: {  	_ =	shalt  }
0x4a: {  	_ =	shalt  }
0x4b: {  	_ =	shalt  }
0x4c: {  	_ =	shalt  }
0x4d: {  	_ =	shalt  }
0x4e: {  	_ =	shalt  }
0x4f: {  	_ =	shalt  }
0x50: {  	_ =	shalt  }
0x51: {  	_ =	shalt  }
0x52: {  	_ =	shalt  }
0x53: {  	_ =	shalt  }
0x54: {  	_ =	shalt  }
0x55: {  	_ =	shalt  }
0x56: {  	_ =	shalt  }
0x57: {  	_ =	shalt  }
0x58: {  	_ =	shalt  }
0x59: {  	_ =	shalt  }
0x5a: {  	_ =	shalt  }
0x5b: {  	_ =	shalt  }
0x5c: {  	_ =	shalt  }
0x5d: {  	_ =	shalt  }
0x5e: {  	_ =	shalt  }
0x5f: {  	_ =	shalt  }
0x60: {  	_ =	shalt  }
0x61: {  	_ =	shalt  }
0x62: {  	_ =	shalt  }
0x63: {  	_ =	shalt  }
0x64: {  	_ =	shalt  }
0x65: {  	_ =	shalt  }
0x66: {  	_ =	shalt  }
0x67: {  	_ =	shalt  }
0x68: {  	_ =	shalt  }
0x69: {  	_ =	shalt  }
0x6a: {  	_ =	shalt  }
0x6b: {  	_ =	shalt  }
0x6c: {  	_ =	shalt  }
0x6d: {  	_ =	shalt  }
0x6e: {  	_ =	shalt  }
0x6f: {  	_ =	shalt  }
0x70: {  	_ =	shalt  }
0x71: {  	_ =	shalt  }
0x72: {  	_ =	shalt  }
0x73: {  	_ =	shalt  }
0x74: {  	_ =	shalt  }
0x75: {  	_ =	shalt  }
0x76: {  	_ =	shalt  }
0x77: {  	_ =	shalt  }
0x78: {  	_ =	shalt  }
0x79: {  	_ =	shalt  }
0x7a: {  	_ =	shalt  }
0x7b: {  	_ =	shalt  }
0x7c: {  	_ =	shalt  }
0x7d: {  	_ =	shalt  }
0x7e: {  	_ =	shalt  }
0x7f: {  	_ =	shalt  }
0x80: {  	_ =	shalt  }
0x81: {  	_ =	shalt  }
0x82: {  	_ =	shalt  }
0x83: {  	_ =	shalt  }
0x84: {  	_ =	shalt  }
0x85: {  	_ =	shalt  }
0x86: {  	_ =	shalt  }
0x87: {  	_ =	shalt  }
.Lfunc_end0:
.L_simem_size_0:
called_computation_lowered:
.L_overlay_start_0:
0x88: {  	s0 =	sld [smem:$0x3FD9]  }
0x89: {  	s1 =	sld [smem:$0x3FFE];
	_ =	sdelay $0x3  }
0x8a: {  	s0 =	sadd.s32 s1, s0  }
0x8b: {  	[smem:$0x3FC6] =	sst s0  }
0x8c: {  	_ = 	snop  }
0x8d: {  	s0 =	sld [smem:$0x3FD0];
	_ =	sdelay $0x1  }
0x8e: {  	s14 =	sld [smem:$0x3FC9]  }
0x8f: {  	s3 =	simm.s32 $0xA;
	s4 =	simm.s32 $0x10;
	s2 =	sld [smem:$0x3FC8]  }
0x90: {  	[smem:s4], [sflag:s3] =	dma.local [hbm:s0], $0x1  }
0x91: {  	_ =	swait.eq [sflag:s3], $0x1  }
0x92: {  	[sflag:s3] =	ssyncset.done $0x0  }
0x93: {  	s15 =	sld [smem:$0x10];
	[sflag:s3] =	ssyncadd.s32 $0xFFFFFFFF  }
0x94: {  	s16 =	sld [smem:$0x11];
	(tm) =	ssettm $0x1  }
0x95: {  	s17 =	sld [smem:$0x3FFB];
	_ =	sdelay $0x3  }
0x96: {  	_ =	strace s17  }
0x97: {  	s4 =	sld [smem:$0x3FFC];
	_ =	sdelay $0x3  }
0x98: {  	_ =	strace s4  }
0x99: {  	s4 =	sld [smem:$0x3FFD];
	_ =	sdelay $0x3  }
0x9a: {  	_ =	strace s4  }
0x9b: {  	_ =	strace $0x8FFFFFFF  }
0x9c: {  	s18 =	sld [smem:$0x3FDB];
	_ =	sdelay $0x1  }
0x9d: {  	s5 =	simm.s32 $_scs_section_size  }
0x9e: {  	s6 =	simm.s32 $_size__tile_overlayer_lowered;
	s7 =	simm.s32 $_tile_overlayer_lowered  }
0x9f: {  	s21 =	simm.s32 $0x1BFF;
	s20 =	sshll.u32 s7, $0x1;
	s4 =	sadd.s32 s5, s18  }
0xa0: {  	s8 =	simm.s32 $0x0;
	s19 =	sshll.u32 s6, $0x1;
	s6 =	sadd.s32 s20, s4  }
0xa1: {  	[timem:s8], [sflag:s21] =	dma.local [hbm:s6], s19  }
0xa2: {  	_ =	swait.ge [sflag:s21], s19  }
0xa3: {  	s5 =	ssub.s32 $0x0, s19;
	[sflag:s21] =	ssyncset.done $0x0  }
0xa4: {  	[sflag:s21] =	ssyncadd.s32 s5;
	_ =	sdelay $0x1  }
0xa5: {  	s22 =	simm.s32 $0x1B8B  }
0xa6: {  	_ =	swait.ge [sflag:s22], $0x1  }
0xa7: {  	[sflag:s22] =	ssyncset.done $0x0  }
0xa8: {  	s23 =	simm.s32 $0x1B8E;
	[sflag:s22] =	ssyncadd.s32 $0xFFFFFFFF  }
0xa9: {  	s24 =	simm.s32 $execute0_lowered;
	[smem:$0x3FD2] =	sst s23  }
0xaa: {  	s5 =	sshll.u32 s24, $0x1;
	_ =	strace $0x80000046;
	[dreg:$0x1] =	wrdreg $0xFFFFFFFF  }
0xab: {  	s25 =	simm.s32 $_size_execute0_lowered;
	s4 =	sadd.s32 s4, s5;
	[dreg:$0x0] =	wrdreg $0x0  }
0xac: {  	s5 =	sshll.u32 s25, $0x1;
	[dreg:$0x2] =	wrdreg s4  }
0xad: {  	[dreg:$0x3] =	wrdreg s5  }
0xae: {  	[dreg:$0x4] =	wrdreg $0xC0  }
0xaf: {  	_ =	task [dreg:s8], $0x5FFFF  }
0xb0: {  	[dreg:$0x1] =	wrdreg $0xFFFFFFFF  }
0xb1: {  	[dreg:$0x0] =	wrdreg $0x60  }
0xb2: {  	[dreg:$0x2] =	wrdreg s14  }
0xb3: {  	[dreg:$0x3] =	wrdreg s2  }
0xb4: {  	[dreg:$0x4] =	wrdreg s16  }
0xb5: {  	[dreg:$0x5] =	wrdreg s15  }
0xb6: {  	[dreg:$0x6] =	wrdreg $0x9  }
0xb7: {  	_ =	task.clear_ibuf [dreg:s8], $0x7FFFF;
	_ =	strace $0x90000046  }
0xb8: {  	s26 =	simm.s32 $0x9;
	_ =	strace $0x80000048  }
0xb9: {  	_ =	swait.ge [sflag:s26], $0x1  }
0xba: {  	[sflag:s26] =	ssyncadd.s32 $0xFFFFFFFF  }
0xbb: {  	_ =	strace $0x90000048  }
0xbc: {  	_ =	sfence  }
0xbd: {  	s28 =	sld [smem:$0x0];
	_ =	sdelay $0x1  }
0xbe: {  	s29 =	srdreg.scid  }
0xbf: {  	s30 =	sshll.u32 s29, $0xD;
	s31 =	sshrl.u32 s29, $0x2  }
0xc0: {  	s1 =	sand.u32 $0x1, s29;
	s2 =	sand.u32 $0x4000, s30;
	s0 =	sadd.s32 s31, s28  }
0xc1: {  	s1 =	sor.u32 s2, s1;
	s0 =	sshll.u32 s0, $0x11  }
0xc2: {  	s0 =	sor.u32 s0, s1  }
0xc3: {  	s0 =	sadd.s32 $0x8F2B, s0  }
0xc4: {  	[sflag:s0] =	ssyncadd.remote.s32 $0x1  }
0xc5: {  	_ =	sfence.sel $0xFFFF  }
0xc6: {  	[dreg:$0x0] =	wrdreg $0xFFFFFFFF;
	(pc) =	sbr.abs _section_cstart, $3  }
0xc7: {  	[dreg:$0x1] =	wrdreg $0xFFFFFFFF  }
0xc8: {  	_ =	task.clear_ibuf [dreg:s8], $0x2FFFF;
	_ =	strace $0x9FFFFFFF  }
0xc9: {  	(tm) =	ssettm $0x7FFFFFFF  }
tec
execute0_lowered:
.L_overlay_start_1:
0x0: {  	(tag) =	ssettag $0x1  }
0x1: {  	s2 =	stileid.u32  }
0x2: {  	p0 =	sne.s32 s2, $0x0  }
.Ltmp0:
0x3: {  	s4 =	rddreg [dreg:$0x0];
	(pc) =	sbr.rel @p0 .LBB2_2-.Ltmp0, $4  }
0x4: {  	s3 =	rddreg [dreg:$0x1]  }
0x5: {  	s5 =	rddreg [dreg:$0x2]  }
0x6: {  	s1 =	rddreg [dreg:$0x3]  }
0x7: {  	s0 =	rddreg [dreg:$0x4];
	_ =	strace $0x80000047  }
0x8: {  	s2 =	simm.s32 $0x0  }
0x9: {  	[tilespmem:s2], [sflag:$0x1] =	stream.linear.gather [hbm4b:s4+s2], $0x80, $0x38;
	[tilespmem:$0x200] =	vst v63  }
0xa: {  	s6 =	simm.s32 $0x80;
	s29 =	simm.s32 $0x1  }
0xb: {  	[tilespmem:s6], [sflag:$0x2] =	stream.linear.gather [hbm4b:s3+s2], $0x80, $0x38;
	[tilespmem:$0x200] =	vst v63  }
0xc: {  	v0 =	vlaneseq.u32;
	_ =	swait.ge [sflag:s29], $0x80  }
0xd: {  	v1 =	vshrl.u32 v0, $0x2;
	v2 =	vand.u32 $0x3, v0;
	v3 =	vmul.u32 $0x2, v0;
	[sflag:s29] =	ssyncset.done $0x0  }
0xe: {  	s30 =	simm.s32 $0x2;
	v4 =	vor.u32 $0x8, v2;
	[sflag:s29] =	ssyncadd.s32 $0xFFFFFF80  }
0xf: {  	v5 =	vadd.s32 $0x4C, v3;
	_ =	swait.ge [sflag:s30], $0x80  }
0x10: {  	v6 =	vmul.u32 $0x8, v1;
	v3 =	vadd.s32 $0x4D, v3;
	[sflag:s30] =	ssyncset.done $0x0  }
0x11: {  	v7 =	vimm.s32 $0x4;
	[sflag:s30] =	ssyncadd.s32 $0xFFFFFF80  }
0x12: {  	v2 =	vmul.u32 $0x2, v2;
	v8 =	vadd.s32 $0xC, v6;
	v1 =	vld.idx.msk [tilespmem:v1+s2+$0x0], $0xffff  }
0x13: {  	v9 =	vadd.s32 $0xD, v6;
	v4 =	vld.idx.msk [tilespmem:v4+s2+$0x0], $0xffff  }
0x14: {  	v10 =	vadd.s32 $0x2C, v2;
	v5 =	vld.idx.msk [tilespmem:v5+s2+$0x0], $0xffff  }
0x15: {  	v11 =	vadd.s32 $0x2D, v2;
	v3 =	vld.idx.msk [tilespmem:v3+s2+$0x0], $0xffff  }
0x16: {  	v12 =	vimm.s32 $0x5;
	v7 =	vld.idx.msk [tilespmem:v7+s2+$0x0], $0xffff  }
0x17: {  	v13 =	vadd.s32 $0xE, v6;
	v8 =	vld.idx.msk [tilespmem:v8+s2+$0x0], $0xffff  }
0x18: {  	v14 =	vadd.s32 $0xF, v6;
	v9 =	vld.idx.msk [tilespmem:v9+s2+$0x0], $0xffff  }
0x19: {  	v17 =	vimm.s32 $0x6;
	v10 =	vld.idx.msk [tilespmem:v10+s2+$0x0], $0xffff  }
0x1a: {  	v15 =	vadd.s32 $0x34, v2;
	v11 =	vld.idx.msk [tilespmem:v11+s2+$0x0], $0xffff  }
0x1b: {  	v18 =	vadd.s32 $0x10, v6;
	v12 =	vld.idx.msk [tilespmem:v12+s2+$0x0], $0xffff  }
0x1c: {  	v19 =	vadd.s32 $0x11, v6;
	v13 =	vld.idx.msk [tilespmem:v13+s2+$0x0], $0xffff  }
0x1d: {  	v20 =	vimm.s32 $0x7;
	v14 =	vld.idx.msk [tilespmem:v14+s2+$0x0], $0xffff  }
0x1e: {  	v16 =	vadd.s32 $0x35, v2;
	v17 =	vld.idx.msk [tilespmem:v17+s2+$0x0], $0xffff  }
0x1f: {  	v21 =	vadd.s32 $0x3C, v2;
	v15 =	vld.idx.msk [tilespmem:v15+s2+$0x0], $0xffff  }
0x20: {  	v22 =	vadd.s32 $0x12, v6;
	v18 =	vld.idx.msk [tilespmem:v18+s2+$0x0], $0xffff  }
0x21: {  	v23 =	vadd.s32 $0x3D, v2;
	v19 =	vld.idx.msk [tilespmem:v19+s2+$0x0], $0xffff;
	v7 =	vmul.f32 v7, v1  }
0x22: {  	v6 =	vadd.s32 $0x13, v6;
	v54 =	vld.idx.msk [tilespmem:v20+s2+$0x0], $0xffff;
	v12 =	vmul.f32 v12, v1;
	v5 =	vmul.f32 v5, v4  }
0x23: {  	v24 =	vadd.s32 $0x44, v2;
	v16 =	vld.idx.msk [tilespmem:v16+s2+$0x0], $0xffff;
	v56 =	vmul.f32 v17, v1;
	v3 =	vmul.f32 v3, v4  }
0x24: {  	v55 =	vld.idx.msk [tilespmem:v21+s2+$0x0], $0xffff;
	v8 =	vmul.f32 v8, v7;
	v7 =	vmul.f32 v9, v7  }
0x25: {  	v2 =	vadd.s32 $0x45, v2;
	v57 =	vld.idx.msk [tilespmem:v22+s2+$0x0], $0xffff;
	v13 =	vmul.f32 v13, v12;
	v12 =	vmul.f32 v14, v12  }
0x26: {  	v59 =	vld.idx.msk [tilespmem:v23+s2+$0x0], $0xffff;
	v18 =	vmul.f32 v18, v56;
	v14 =	vmul.f32 v19, v56  }
0x27: {  	v6 =	vld.idx.msk [tilespmem:v6+s2+$0x0], $0xffff;
	v9 =	vmul.f32 v54, v1;
	v58 =	vmul.f32 v10, v8  }
0x28: {  	v60 =	vld.idx.msk [tilespmem:v24+s2+$0x0], $0xffff;
	v8 =	vmul.f32 v11, v8;
	v61 =	vmul.f32 v15, v13  }
0x29: {  	v10 =	vmul.f32 v10, v7;
	v13 =	vmul.f32 v16, v13  }
0x2a: {  	v2 =	vld.idx.msk [tilespmem:v2+s2+$0x0], $0xffff;
	v62 =	vmul.f32 v55, v18;
	v17 =	vmul.f32 v57, v9  }
0x2b: {  	v63 =	vmul.f32 v15, v12;
	v24 =	vmul.f32 v59, v18;
	v21 =	vadd.f32 v61, v58  }
0x2c: {  	v27 =	vmul.f32 v55, v14;
	v6 =	vmul.f32 v6, v9  }
0x2d: {  	v8 =	vadd.f32 v13, v8;
	v26 =	vmul.f32 v60, v17;
	v25 =	vadd.f32 v62, v21  }
0x2e: {  	v7 =	vmul.f32 v11, v7;
	v29 =	vmul.f32 v16, v12;
	v10 =	vadd.f32 v63, v10  }
0x2f: {  	v28 =	vmul.f32 v2, v17;
	v8 =	vadd.f32 v24, v8;
	v4 =	vadd.f32 v26, v25  }
0x30: {  	v32 =	vmul.f32 v59, v14;
	v30 =	vmul.f32 v60, v6;
	v7 =	vadd.f32 v29, v7  }
0x31: {  	v10 =	vadd.f32 v27, v10;
	v8 =	vadd.f32 v28, v8;
	v31 =	vmul.f32 v4, v5  }
0x32: {  	v2 =	vmul.f32 v2, v6;
	v4 =	vmul.f32 v4, v3  }
0x33: {  	v7 =	vadd.f32 v32, v7;
	v9 =	vadd.f32 v30, v10;
	v33 =	vmul.f32 v8, v5;
	(xrf2) =	vadd.scan.msk.f32 $0xffff, v31  }
0x34: {  	v34 =	vmul.f32 v8, v3;
	(xrf2) =	vadd.scan.msk.f32 $0xffff, v4  }
0x35: {  	v2 =	vadd.f32 v2, v7;
	v35 =	vmul.f32 v9, v5;
	(xrf2) =	vadd.scan.msk.f32 $0xffff, v33  }
0x36: {  	v36 =	vmul.f32 v9, v3;
	(xrf2) =	vadd.scan.msk.f32 $0xffff, v34  }
0x37: {  	v37 =	vmul.f32 v2, v5;
	(xrf2) =	vadd.scan.msk.f32 $0xffff, v35  }
0x38: {  	v2 =	vmul.f32 v2, v3;
	(xrf2) =	vadd.scan.msk.f32 $0xffff, v36  }
0x39: {  	(xrf2) =	vadd.scan.msk.f32 $0xffff, v37  }
0x3a: {  	(xrf2) =	vadd.scan.msk.f32 $0xffff, v2;
	_ =	sdelay $0x2  }
0x3b: {  	v38, _, _ =	vpop (xrf2)  }
0x3c: {  	v1 =	vmul.f32 $0.0e+00, v1;
	v39, _, _ =	vpop (xrf2);
	v2 =	vbroadcast v38, $0xF  }
0x3d: {  	vm0 =	vmmov $0x1;
	vm7 =	vcmask $0x320;
	v40, _, _ =	vpop (xrf2);
	v3 =	vbroadcast v39, $0xF  }
0x3e: {  	vm8 =	vcmask $0x720;
	v41, _, _ =	vpop (xrf2);
	v1 =	vsel vm0, v2, v1;
	v42 =	vbroadcast v40, $0xF  }
0x3f: {  	vm9 =	vcmask $0xB20;
	v43, _, _ =	vpop (xrf2);
	v1 =	vsel vm7, v1, v3;
	v44 =	vbroadcast v41, $0xF  }
0x40: {  	vm10 =	vcmask $0xF20;
	v45, _, _ =	vpop (xrf2);
	v1 =	vsel vm8, v1, v42;
	v46 =	vbroadcast v43, $0xF  }
0x41: {  	vm11 =	vcmask $0x1320;
	v1 =	vsel vm9, v1, v44;
	v47 =	vbroadcast v45, $0xF;
	v48, _, _ =	vpop (xrf2)  }
0x42: {  	vm12 =	vcmask $0x1720;
	v1 =	vsel vm10, v1, v46;
	v49 =	vbroadcast v48, $0xF;
	v50, _, _ =	vpop (xrf2)  }
0x43: {  	v0 =	vand.u32 $0x7, v0;
	v1 =	vsel vm11, v1, v47;
	v3 =	vbroadcast v50, $0xF  }
0x44: {  	vm13 =	vcmask $0x1B20;
	v1 =	vsel vm12, v1, v49  }
0x45: {  	v1 =	vsel vm13, v1, v3  }
0x46: {  	s7 =	simm.s32 $0x100;
	[tilespmem:$0x100] =	vst v1  }
0x47: {  	[hbm4b:s5+s2] =	stream.linear.scatter [tilespmem:s7], [sflag:$0x1], $0x8, $0x38;
	[tilespmem:$0x200] =	vst v63  }
0x48: {  	v0 =	vld.idx.msk [tilespmem:v0+s6+$0x0], $0xffff;
	_ =	sdelay $0x3  }
0x49: {  	vm14 =	vmmov $0xff  }
0x4a: {  	v0 =	vnsel vm14, $0x0, v0  }
0x4b: {  	v51 =	vadd.f32 $1.000000010e-10, v0  }
0x4c: {  	v3 =	vmax.f32 v1, $1.000000010e-10  }
0x4d: {  	v3 =	vmin.f32 v3, $1.000000000e+00;
	v52 =	vand.u32 $0x7FFFFF, v51  }
0x4e: {  	v53 =	vand.u32 $0x7FFFFF, v3;
	v4 =	vor.u32 $0x3F800000, v52  }
0x4f: {  	v5 =	vor.u32 $0x3F800000, v53;
	v54 =	vmul.f32 $5.000000000e-01, v4  }
0x50: {  	v55 =	vmul.f32 $5.000000000e-01, v5;
	vm1 =	vgt.f32 v4, $1.414213540e+00  }
0x51: {  	vm15 =	vgt.f32 v5, $1.414213540e+00;
	v4 =	vsel vm1, v54, v4  }
0x52: {  	v5 =	vsel vm15, v55, v5;
	v6 =	vadd.f32 $1.000000000e+00, v4  }
0x53: {  	v7 =	vadd.f32 $1.000000000e+00, v5  }
0x54: {  	(erf) = vrcp.f32 v6  }
0x55: {  	(erf) = vrcp.f32 v7;
	_ =	sdelay $0x7  }
0x56: {  	v5 =	vadd.f32 $-1.000000000e+00, v5;
	v4 =	vadd.f32 $-1.000000000e+00, v4;
	v6 =	vpop (erf)  }
0x57: {  	v56 =	vpop (erf)  }
0x58: {  	v4 =	vmul.f32 v6, v4;
	v5 =	vmul.f32 v56, v5;
	_ =	sdelay $0x1  }
0x59: {  	v57 =	vmul.f32 v4, v4;
	v58 =	vmul.f32 v5, v5;
	_ =	sdelay $0x1  }
0x5a: {  	v59 =	vmul.f32 $1.111111120e-01, v57;
	v60 =	vmul.f32 $1.111111120e-01, v58;
	_ =	sdelay $0x1  }
0x5b: {  	v8 =	vadd.f32 $1.428571490e-01, v59;
	v9 =	vadd.f32 $1.428571490e-01, v60;
	_ =	sdelay $0x1  }
0x5c: {  	v8 =	vmul.f32 v8, v57;
	v9 =	vmul.f32 v9, v58;
	_ =	sdelay $0x1  }
0x5d: {  	v61 =	vimm.s32 $0x0;
	v8 =	vadd.f32 $2.000000030e-01, v8;
	v9 =	vadd.f32 $2.000000030e-01, v9  }
0x5e: {  	v3 =	vshra.s32 v3, $0x17;
	v63 =	vsel vm15, $0x1, v61  }
0x5f: {  	v3 =	vadd.s32 v63, v3;
	v8 =	vmul.f32 v8, v57;
	v9 =	vmul.f32 v9, v58  }
0x60: {  	v3 =	vadd.s32 $0xFFFFFF81, v3;
	v2 =	vshra.s32 v51, $0x17  }
0x61: {  	v62 =	vsel vm1, $0x1, v61;
	v8 =	vadd.f32 $3.333333430e-01, v8;
	v9 =	vadd.f32 $3.333333430e-01, v9  }
0x62: {  	v3 =	vcvt.s32.f32 v3;
	v2 =	vadd.s32 v62, v2  }
0x63: {  	v2 =	vadd.s32 $0xFFFFFF81, v2;
	v6 =	vmul.f32 v8, v57;
	v7 =	vmul.f32 v9, v58  }
0x64: {  	v2 =	vcvt.s32.f32 v2;
	v4 =	vadd.f32 v4, v4;
	v5 =	vadd.f32 v5, v5  }
0x65: {  	v6 =	vadd.f32 $1.000000000e+00, v6;
	v7 =	vadd.f32 $1.000000000e+00, v7  }
0x66: {  	v3 =	vmul.f32 $6.931471820e-01, v3;
	v2 =	vmul.f32 $6.931471820e-01, v2  }
0x67: {  	v4 =	vmul.f32 v6, v4;
	v5 =	vmul.f32 v7, v5;
	_ =	sdelay $0x1  }
0x68: {  	v2 =	vadd.f32 v4, v2;
	v3 =	vadd.f32 v5, v3;
	_ =	sdelay $0x1  }
0x69: {  	v2 =	vsub.f32 v2, v3;
	_ =	sdelay $0x1  }
0x6a: {  	v0 =	vmul.f32 v2, v0;
	_ =	sdelay $0x1  }
0x6b: {  	(xrf2) =	vadd.scan.msk.f32 $0xffff, v0;
	_ =	sdelay $0x9  }
0x6c: {  	v0, _, _ =	vpop (xrf2)  }
0x6d: {  	v1 =	vmul.f32 $0.0e+00, v1;
	v0 =	vbroadcast v0, $0xF;
	_ =	sdelay $0x1  }
0x6e: {  	v0 =	vadd.f32 v0, v1;
	_ =	sdelay $0x1  }
0x6f: {  	s31 =	simm.s32 $0x180;
	[tilespmem:$0x180] =	vst v0  }
0x70: {  	[hbm4b:s1+s2] =	stream.linear.scatter [tilespmem:s31], [sflag:$0x2], $0x1, $0x38;
	[tilespmem:$0x200] =	vst v63  }
0x71: {  	_ =	swait.ge [sflag:s29], $0x8  }
0x72: {  	[sflag:s29] =	ssyncset.done $0x0  }
0x73: {  	[sflag:s29] =	ssyncadd.s32 $0xFFFFFFF8  }
0x74: {  	_ =	swait.ge [sflag:s30], $0x1  }
0x75: {  	[sflag:s30] =	ssyncset.done $0x0  }
0x76: {  	[sflag:s30] =	ssyncadd.s32 $0xFFFFFFFF  }
.LBB2_2:
0x77: {  	_ =	sfence.sel $0x180000  }
0x78: {  	[bflag:$0x0] =	sbarrier.arrive $0xFFFF  }
0x79: {  	_ =	strace $0x90000047  }
0x7a: {  	s0 =	sadd.s32 @!p0 $0x100000, s0;
	[bflag:$0x2] =	sbarrier.arrive $0xFFFF  }
0x7b: {  	[sflag:s0] =	ssyncadd.tile.s32 @!p0 $0x1;
	_ =	shalt  }
.Lfunc_end2:
_tile_overlayer_lowered:
.L_overlay_start_2:
0x7c: {  	(tag) =	ssettag $0x2  }
0x7d: {  	s0 =	rddreg [dreg:$0x0];
	s2 =	stileid.u32  }
0x7e: {  	s1 =	rddreg [dreg:$0x1];
	p0 =	sne.s32 s2, $0x0  }
0x7f: {  	s3 =	rddreg [dreg:$0x2];
	[bflag:$0x3] =	sbarrier.arrive $0xFFFF;
	s2 =	simm.s32 @!p0 $0x1C03  }
0x80: {  	[timem:s3], [sflag:s2] =	dma.local @!p0 [hbm:s0], s1  }
0x81: {  	s0 =	simm.s32 @!p0 $0x3  }
0x82: {  	_ =	swait.ge @!p0 [sflag:s0], s1  }
0x83: {  	s1 =	ssub.s32 @!p0 $0x0, s1;
	[sflag:s0] =	ssyncset.done @!p0 $0x0  }
0x84: {  	[sflag:s0] =	ssyncadd.s32 @!p0 s1  }
0x85: {  	[bflag:$0x3] =	sbarrier.arrive $0xFFFF  }
0x86: {  	_ =	shalt  }

</sc_bundles>
